<compile_context>
chip_gen: v7x
topology: tpu7x:2x2x1
jax: 0.10.2.dev20260603
libtpu: 0.0.44.dev20260713+nightly
codegen_flags: <defaults>
</compile_context>

<pallas_src>
import functools

import jax
import jax.numpy as jnp
from jax import lax
from jax.experimental import pallas as pl
from jax.experimental.pallas import tpu as pltpu
from jax.experimental.pallas import tpu_sc as plsc

N_LOC = 100000
BATCH = 16384
SEQ = 200
OUT_PER_ROW = SEQ - 1
NC, NS, LANES = 2, 16, 16
NW = NC * NS
ROWS_PER_W = BATCH // NW
ROWS_PER_GRP = 8
GRPS_PER_W = ROWS_PER_W // ROWS_PER_GRP
IDX_PER_GRP = ROWS_PER_GRP * SEQ
OUT_PER_GRP = ROWS_PER_GRP * OUT_PER_ROW
CHUNKS = (OUT_PER_ROW + LANES - 1) // LANES


def _body(x_hbm, tab_hbm, out_hbm, tab_v, idx_v, out_v):
    w = lax.axis_index("c") * NS + lax.axis_index("s")

    pltpu.sync_copy(tab_hbm, tab_v)

    ii = lax.iota(jnp.int32, LANES)

    def per_group(g, carry):
        gi = w * GRPS_PER_W + g
        pltpu.sync_copy(x_hbm.at[pl.ds(gi * IDX_PER_GRP, IDX_PER_GRP)], idx_v)

        def per_row(r, carry2):
            base = r * SEQ
            obase = r * OUT_PER_ROW
            for c in range(CHUNKS):
                t = ii + (c * LANES)
                if (c + 1) * LANES <= OUT_PER_ROW:
                    tc = t
                    mask = None
                else:
                    tc = jnp.minimum(t, OUT_PER_ROW - 1)
                    mask = t < OUT_PER_ROW
                f1 = tc + base
                i1 = plsc.load_gather(idx_v, [f1])
                i2 = plsc.load_gather(idx_v, [f1 + 1])
                v1 = plsc.load_gather(tab_v, [i1])
                v2 = plsc.load_gather(tab_v, [i2])
                d = v1 - v2
                plsc.store_scatter(out_v, [t + obase], d * d, mask=mask)
            return carry2

        lax.fori_loop(0, ROWS_PER_GRP, per_row, 0)
        pltpu.sync_copy(out_v, out_hbm.at[pl.ds(gi * OUT_PER_GRP, OUT_PER_GRP)])
        return carry

    lax.fori_loop(0, GRPS_PER_W, per_group, 0)


@jax.jit
def _run(x_flat, X):
    mesh = plsc.VectorSubcoreMesh(core_axis_name="c", subcore_axis_name="s")
    f = functools.partial(
        pl.kernel,
        out_type=jax.ShapeDtypeStruct((BATCH * OUT_PER_ROW,), jnp.float32),
        mesh=mesh,
        scratch_types=[
            pltpu.VMEM((N_LOC,), jnp.float32),
            pltpu.VMEM((IDX_PER_GRP,), jnp.int32),
            pltpu.VMEM((OUT_PER_GRP,), jnp.float32),
        ],
        compiler_params=pltpu.CompilerParams(needs_layout_passes=False),
    )(_body)
    return f(x_flat, X)


def kernel(x, X, Y):
    del Y
    x_flat = x.reshape(-1).astype(jnp.int32)
    return _run(x_flat, X)

# --- scband reference (transcript-rebuilt; emitter-appended) ---
"""Pipeline reference for scband-distance-loss-46213848105428 (READ-ONLY COPY).

The authoritative reference and input builder live on the scoring server;
editing this copy changes nothing except your own understanding.
"""

import jax, jax.numpy as jnp
import numpy as np


def setup_inputs(seed: int = 0) -> dict:
    key = jax.random.key(seed)
    k1, k2, k3 = jax.random.split(key, 3)
    n_loc = 100000
    batch, seq_len = 16384, 200
    x = jax.random.randint(k1, (batch, seq_len), 0, n_loc, dtype=jnp.int64)
    X = jax.random.normal(k2, (n_loc,), dtype=jnp.float32)
    Y = jax.random.normal(k3, (n_loc,), dtype=jnp.float32)
    return {"x": x, "X": X, "Y": Y}


def reference(x, X, Y):
    # generated sequence x: int[batch, seq_len]; gather consecutive GPS coords
    idx1 = x[:, :-1].reshape(-1)
    idx2 = x[:, 1:].reshape(-1)
    x1 = jnp.take(X, idx1, axis=0)
    x2 = jnp.take(X, idx2, axis=0)
    y1 = jnp.take(Y, idx1, axis=0)
    # NOTE: original code indexes Y with x[:, :-1] for BOTH y1 and y2 (a bug in the
    # source module); we reproduce it faithfully, so dy == 0.
    y2 = jnp.take(Y, idx1, axis=0)
    dx = x1 - x2
    dy = y1 - y2
    loss = dx ** 2 + dy ** 2
    return loss

if __name__ == "__main__":
    import jax
    _d = setup_inputs()
    print(jax.jit(kernel)(*tuple(_d.values())))

</pallas_src>

<mosaic_0001>
#map = affine_map<(d0, d1) -> (0)>
module attributes {stable_mosaic.version = 14 : i64} {
  func.func @_body(%arg0: i32, %arg1: i32, %arg2: memref<3276800xi32, #tpu.memory_space<hbm>>, %arg3: memref<100000xf32, #tpu.memory_space<hbm>>, %arg4: memref<3260416xf32, #tpu.memory_space<hbm>>, %arg5: memref<100000xf32, #tpu.memory_space<vmem>>, %arg6: memref<1600xi32, #tpu.memory_space<vmem>>, %arg7: memref<1592xf32, #tpu.memory_space<vmem>>) attributes {dimension_semantics = [#tpu.dimension_semantics<core_parallel>, #tpu.dimension_semantics<subcore_parallel>], iteration_bounds = array<i64: 2, 16>, scalar_prefetch = 0 : i64, scratch_operands = 3 : i64, tpu.core_type = #tpu.core_type<sc_vector_subcore>, window_params = [{transform_indices = #map}, {transform_indices = #map}, {transform_indices = #map}]} {
    %mul3A = arith.constant 16 : i32
    %mul3A_0 = arith.muli %arg0, %mul3A : i32
    %add3A = arith.addi %mul3A_0, %arg1 : i32
    "tpu.region"() ({
      %run_scoped3A = tpu.sem_alloc : memref<!tpu.dma_semaphore, #tpu.memory_space<semaphore_mem>>
      tpu.enqueue_dma source(%arg3 : memref<100000xf32, #tpu.memory_space<hbm>>) target(%arg5 : memref<100000xf32, #tpu.memory_space<vmem>>) target_semaphore(%run_scoped3A : memref<!tpu.dma_semaphore, #tpu.memory_space<semaphore_mem>>)
      tpu.wait_dma2 semaphore(%run_scoped3A : memref<!tpu.dma_semaphore, #tpu.memory_space<semaphore_mem>>) src(%arg3 : memref<100000xf32, #tpu.memory_space<hbm>>) dst(%arg5 : memref<100000xf32, #tpu.memory_space<vmem>>)
      tpu.yield
    }) : () -> ()
    %iota3A = tpu.iota {dimensions = array<i32: 0>} : vector<16xi32>
    %scan3A = arith.constant 0 : i32
    %scan3A_1 = arith.constant 0 : i32
    %scan3A_2 = arith.constant 64 : i32
    %scan3A_3 = arith.addi %scan3A_1, %scan3A_2 : i32
    %scan3A_4 = arith.constant 1 : i32
    scf.for %scan3A_6 = %scan3A_1 to %scan3A_3 step %scan3A_4  : i32 {
      %mul3A_7 = arith.constant 64 : i32
      %mul3A_8 = arith.muli %add3A, %mul3A_7 : i32
      %add3A_9 = arith.addi %mul3A_8, %scan3A_6 : i32
      %mul3A_10 = arith.constant 1600 : i32
      %mul3A_11 = arith.muli %add3A_9, %mul3A_10 : i32
      "tpu.region"() ({
        %run_scoped3A = tpu.sem_alloc : memref<!tpu.dma_semaphore, #tpu.memory_space<semaphore_mem>>
        %dma_start3A = tpu.memref_slice %arg2[%mul3A_11] : memref<3276800xi32, #tpu.memory_space<hbm>> -> memref<1600xi32, #tpu.memory_space<hbm>>
        %dma_start3A_20 = tpu.memref_slice %arg2[%mul3A_11] : memref<3276800xi32, #tpu.memory_space<hbm>> -> memref<1600xi32, #tpu.memory_space<hbm>>
        tpu.enqueue_dma source(%dma_start3A_20 : memref<1600xi32, #tpu.memory_space<hbm>>) target(%arg6 : memref<1600xi32, #tpu.memory_space<vmem>>) target_semaphore(%run_scoped3A : memref<!tpu.dma_semaphore, #tpu.memory_space<semaphore_mem>>)
        %dma_wait3A = tpu.memref_slice %arg2[%mul3A_11] : memref<3276800xi32, #tpu.memory_space<hbm>> -> memref<1600xi32, #tpu.memory_space<hbm>>
        %dma_wait3A_21 = tpu.memref_slice %arg2[%mul3A_11] : memref<3276800xi32, #tpu.memory_space<hbm>> -> memref<1600xi32, #tpu.memory_space<hbm>>
        tpu.wait_dma2 semaphore(%run_scoped3A : memref<!tpu.dma_semaphore, #tpu.memory_space<semaphore_mem>>) src(%dma_wait3A_21 : memref<1600xi32, #tpu.memory_space<hbm>>) dst(%arg6 : memref<1600xi32, #tpu.memory_space<vmem>>)
        tpu.yield
      }) : () -> ()
      %scan3A_12 = arith.constant 0 : i32
      %scan3A_13 = arith.constant 0 : i32
      %scan3A_14 = arith.constant 8 : i32
      %scan3A_15 = arith.addi %scan3A_13, %scan3A_14 : i32
      %scan3A_16 = arith.constant 1 : i32
      scf.for %scan3A_20 = %scan3A_13 to %scan3A_15 step %scan3A_16  : i32 {
        %mul3A_21 = arith.constant 200 : i32
        %mul3A_22 = arith.muli %scan3A_20, %mul3A_21 : i32
        %mul3A_23 = arith.constant 199 : i32
        %mul3A_24 = arith.muli %scan3A_20, %mul3A_23 : i32
        %add3A_25 = arith.constant 0 : i32
        %add3A_26 = vector.broadcast %add3A_25 : i32 to vector<16xi32>
        %add3A_27 = arith.addi %iota3A, %add3A_26 : vector<16xi32>
        %add3A_28 = vector.broadcast %mul3A_22 : i32 to vector<16xi32>
        %add3A_29 = arith.addi %add3A_27, %add3A_28 : vector<16xi32>
        %gather3A = tpu.vector_load_idx %arg6[%add3A_29] : memref<1600xi32, #tpu.memory_space<vmem>>[vector<16xi32>], vector<16xi32>,
        %add3A_30 = arith.constant 1 : i32
        %add3A_31 = vector.broadcast %add3A_30 : i32 to vector<16xi32>
        %add3A_32 = arith.addi %add3A_29, %add3A_31 : vector<16xi32>
        %gather3A_33 = tpu.vector_load_idx %arg6[%add3A_32] : memref<1600xi32, #tpu.memory_space<vmem>>[vector<16xi32>], vector<16xi32>,
        %gather3A_34 = tpu.vector_load_idx %arg5[%gather3A] : memref<100000xf32, #tpu.memory_space<vmem>>[vector<16xi32>], vector<16xf32>,
        %gather3A_35 = tpu.vector_load_idx %arg5[%gather3A_33] : memref<100000xf32, #tpu.memory_space<vmem>>[vector<16xi32>], vector<16xf32>,
        %sub3A = arith.subf %gather3A_34, %gather3A_35 : vector<16xf32>
        %add3A_36 = vector.broadcast %mul3A_24 : i32 to vector<16xi32>
        %add3A_37 = arith.addi %add3A_27, %add3A_36 : vector<16xi32>
        %mul3A_38 = arith.mulf %sub3A, %sub3A : vector<16xf32>
        tpu.vector_store_idx %arg7[%add3A_37], %mul3A_38 : memref<1592xf32, #tpu.memory_space<vmem>>[vector<16xi32>], vector<16xf32>,
        %add3A_39 = arith.constant 16 : i32
        %add3A_40 = vector.broadcast %add3A_39 : i32 to vector<16xi32>
        %add3A_41 = arith.addi %iota3A, %add3A_40 : vector<16xi32>
        %add3A_42 = vector.broadcast %mul3A_22 : i32 to vector<16xi32>
        %add3A_43 = arith.addi %add3A_41, %add3A_42 : vector<16xi32>
        %gather3A_44 = tpu.vector_load_idx %arg6[%add3A_43] : memref<1600xi32, #tpu.memory_space<vmem>>[vector<16xi32>], vector<16xi32>,
        %add3A_45 = arith.constant 1 : i32
        %add3A_46 = vector.broadcast %add3A_45 : i32 to vector<16xi32>
        %add3A_47 = arith.addi %add3A_43, %add3A_46 : vector<16xi32>
        %gather3A_48 = tpu.vector_load_idx %arg6[%add3A_47] : memref<1600xi32, #tpu.memory_space<vmem>>[vector<16xi32>], vector<16xi32>,
        %gather3A_49 = tpu.vector_load_idx %arg5[%gather3A_44] : memref<100000xf32, #tpu.memory_space<vmem>>[vector<16xi32>], vector<16xf32>,
        %gather3A_50 = tpu.vector_load_idx %arg5[%gather3A_48] : memref<100000xf32, #tpu.memory_space<vmem>>[vector<16xi32>], vector<16xf32>,
        %sub3A_51 = arith.subf %gather3A_49, %gather3A_50 : vector<16xf32>
        %add3A_52 = vector.broadcast %mul3A_24 : i32 to vector<16xi32>
        %add3A_53 = arith.addi %add3A_41, %add3A_52 : vector<16xi32>
        %mul3A_54 = arith.mulf %sub3A_51, %sub3A_51 : vector<16xf32>
        tpu.vector_store_idx %arg7[%add3A_53], %mul3A_54 : memref<1592xf32, #tpu.memory_space<vmem>>[vector<16xi32>], vector<16xf32>,
        %add3A_55 = arith.constant 32 : i32
        %add3A_56 = vector.broadcast %add3A_55 : i32 to vector<16xi32>
        %add3A_57 = arith.addi %iota3A, %add3A_56 : vector<16xi32>
        %add3A_58 = vector.broadcast %mul3A_22 : i32 to vector<16xi32>
        %add3A_59 = arith.addi %add3A_57, %add3A_58 : vector<16xi32>
        %gather3A_60 = tpu.vector_load_idx %arg6[%add3A_59] : memref<1600xi32, #tpu.memory_space<vmem>>[vector<16xi32>], vector<16xi32>,
        %add3A_61 = arith.constant 1 : i32
        %add3A_62 = vector.broadcast %add3A_61 : i32 to vector<16xi32>
        %add3A_63 = arith.addi %add3A_59, %add3A_62 : vector<16xi32>
        %gather3A_64 = tpu.vector_load_idx %arg6[%add3A_63] : memref<1600xi32, #tpu.memory_space<vmem>>[vector<16xi32>], vector<16xi32>,
        %gather3A_65 = tpu.vector_load_idx %arg5[%gather3A_60] : memref<100000xf32, #tpu.memory_space<vmem>>[vector<16xi32>], vector<16xf32>,
        %gather3A_66 = tpu.vector_load_idx %arg5[%gather3A_64] : memref<100000xf32, #tpu.memory_space<vmem>>[vector<16xi32>], vector<16xf32>,
        %sub3A_67 = arith.subf %gather3A_65, %gather3A_66 : vector<16xf32>
        %add3A_68 = vector.broadcast %mul3A_24 : i32 to vector<16xi32>
        %add3A_69 = arith.addi %add3A_57, %add3A_68 : vector<16xi32>
        %mul3A_70 = arith.mulf %sub3A_67, %sub3A_67 : vector<16xf32>
        tpu.vector_store_idx %arg7[%add3A_69], %mul3A_70 : memref<1592xf32, #tpu.memory_space<vmem>>[vector<16xi32>], vector<16xf32>,
        %add3A_71 = arith.constant 48 : i32
        %add3A_72 = vector.broadcast %add3A_71 : i32 to vector<16xi32>
        %add3A_73 = arith.addi %iota3A, %add3A_72 : vector<16xi32>
        %add3A_74 = vector.broadcast %mul3A_22 : i32 to vector<16xi32>
        %add3A_75 = arith.addi %add3A_73, %add3A_74 : vector<16xi32>
        %gather3A_76 = tpu.vector_load_idx %arg6[%add3A_75] : memref<1600xi32, #tpu.memory_space<vmem>>[vector<16xi32>], vector<16xi32>,
        %add3A_77 = arith.constant 1 : i32
        %add3A_78 = vector.broadcast %add3A_77 : i32 to vector<16xi32>
        %add3A_79 = arith.addi %add3A_75, %add3A_78 : vector<16xi32>
        %gather3A_80 = tpu.vector_load_idx %arg6[%add3A_79] : memref<1600xi32, #tpu.memory_space<vmem>>[vector<16xi32>], vector<16xi32>,
        %gather3A_81 = tpu.vector_load_idx %arg5[%gather3A_76] : memref<100000xf32, #tpu.memory_space<vmem>>[vector<16xi32>], vector<16xf32>,
        %gather3A_82 = tpu.vector_load_idx %arg5[%gather3A_80] : memref<100000xf32, #tpu.memory_space<vmem>>[vector<16xi32>], vector<16xf32>,
        %sub3A_83 = arith.subf %gather3A_81, %gather3A_82 : vector<16xf32>
        %add3A_84 = vector.broadcast %mul3A_24 : i32 to vector<16xi32>
        %add3A_85 = arith.addi %add3A_73, %add3A_84 : vector<16xi32>
        %mul3A_86 = arith.mulf %sub3A_83, %sub3A_83 : vector<16xf32>
        tpu.vector_store_idx %arg7[%add3A_85], %mul3A_86 : memref<1592xf32, #tpu.memory_space<vmem>>[vector<16xi32>], vector<16xf32>,
        %add3A_87 = arith.constant 64 : i32
        %add3A_88 = vector.broadcast %add3A_87 : i32 to vector<16xi32>
        %add3A_89 = arith.addi %iota3A, %add3A_88 : vector<16xi32>
        %add3A_90 = vector.broadcast %mul3A_22 : i32 to vector<16xi32>
        %add3A_91 = arith.addi %add3A_89, %add3A_90 : vector<16xi32>
        %gather3A_92 = tpu.vector_load_idx %arg6[%add3A_91] : memref<1600xi32, #tpu.memory_space<vmem>>[vector<16xi32>], vector<16xi32>,
        %add3A_93 = arith.constant 1 : i32
        %add3A_94 = vector.broadcast %add3A_93 : i32 to vector<16xi32>
        %add3A_95 = arith.addi %add3A_91, %add3A_94 : vector<16xi32>
        %gather3A_96 = tpu.vector_load_idx %arg6[%add3A_95] : memref<1600xi32, #tpu.memory_space<vmem>>[vector<16xi32>], vector<16xi32>,
        %gather3A_97 = tpu.vector_load_idx %arg5[%gather3A_92] : memref<100000xf32, #tpu.memory_space<vmem>>[vector<16xi32>], vector<16xf32>,
        %gather3A_98 = tpu.vector_load_idx %arg5[%gather3A_96] : memref<100000xf32, #tpu.memory_space<vmem>>[vector<16xi32>], vector<16xf32>,
        %sub3A_99 = arith.subf %gather3A_97, %gather3A_98 : vector<16xf32>
        %add3A_100 = vector.broadcast %mul3A_24 : i32 to vector<16xi32>
        %add3A_101 = arith.addi %add3A_89, %add3A_100 : vector<16xi32>
        %mul3A_102 = arith.mulf %sub3A_99, %sub3A_99 : vector<16xf32>
        tpu.vector_store_idx %arg7[%add3A_101], %mul3A_102 : memref<1592xf32, #tpu.memory_space<vmem>>[vector<16xi32>], vector<16xf32>,
        %add3A_103 = arith.constant 80 : i32
        %add3A_104 = vector.broadcast %add3A_103 : i32 to vector<16xi32>
        %add3A_105 = arith.addi %iota3A, %add3A_104 : vector<16xi32>
        %add3A_106 = vector.broadcast %mul3A_22 : i32 to vector<16xi32>
        %add3A_107 = arith.addi %add3A_105, %add3A_106 : vector<16xi32>
        %gather3A_108 = tpu.vector_load_idx %arg6[%add3A_107] : memref<1600xi32, #tpu.memory_space<vmem>>[vector<16xi32>], vector<16xi32>,
        %add3A_109 = arith.constant 1 : i32
        %add3A_110 = vector.broadcast %add3A_109 : i32 to vector<16xi32>
        %add3A_111 = arith.addi %add3A_107, %add3A_110 : vector<16xi32>
        %gather3A_112 = tpu.vector_load_idx %arg6[%add3A_111] : memref<1600xi32, #tpu.memory_space<vmem>>[vector<16xi32>], vector<16xi32>,
        %gather3A_113 = tpu.vector_load_idx %arg5[%gather3A_108] : memref<100000xf32, #tpu.memory_space<vmem>>[vector<16xi32>], vector<16xf32>,
        %gather3A_114 = tpu.vector_load_idx %arg5[%gather3A_112] : memref<100000xf32, #tpu.memory_space<vmem>>[vector<16xi32>], vector<16xf32>,
        %sub3A_115 = arith.subf %gather3A_113, %gather3A_114 : vector<16xf32>
        %add3A_116 = vector.broadcast %mul3A_24 : i32 to vector<16xi32>
        %add3A_117 = arith.addi %add3A_105, %add3A_116 : vector<16xi32>
        %mul3A_118 = arith.mulf %sub3A_115, %sub3A_115 : vector<16xf32>
        tpu.vector_store_idx %arg7[%add3A_117], %mul3A_118 : memref<1592xf32, #tpu.memory_space<vmem>>[vector<16xi32>], vector<16xf32>,
        %add3A_119 = arith.constant 96 : i32
        %add3A_120 = vector.broadcast %add3A_119 : i32 to vector<16xi32>
        %add3A_121 = arith.addi %iota3A, %add3A_120 : vector<16xi32>
        %add3A_122 = vector.broadcast %mul3A_22 : i32 to vector<16xi32>
        %add3A_123 = arith.addi %add3A_121, %add3A_122 : vector<16xi32>
        %gather3A_124 = tpu.vector_load_idx %arg6[%add3A_123] : memref<1600xi32, #tpu.memory_space<vmem>>[vector<16xi32>], vector<16xi32>,
        %add3A_125 = arith.constant 1 : i32
        %add3A_126 = vector.broadcast %add3A_125 : i32 to vector<16xi32>
        %add3A_127 = arith.addi %add3A_123, %add3A_126 : vector<16xi32>
        %gather3A_128 = tpu.vector_load_idx %arg6[%add3A_127] : memref<1600xi32, #tpu.memory_space<vmem>>[vector<16xi32>], vector<16xi32>,
        %gather3A_129 = tpu.vector_load_idx %arg5[%gather3A_124] : memref<100000xf32, #tpu.memory_space<vmem>>[vector<16xi32>], vector<16xf32>,
        %gather3A_130 = tpu.vector_load_idx %arg5[%gather3A_128] : memref<100000xf32, #tpu.memory_space<vmem>>[vector<16xi32>], vector<16xf32>,
        %sub3A_131 = arith.subf %gather3A_129, %gather3A_130 : vector<16xf32>
        %add3A_132 = vector.broadcast %mul3A_24 : i32 to vector<16xi32>
        %add3A_133 = arith.addi %add3A_121, %add3A_132 : vector<16xi32>
        %mul3A_134 = arith.mulf %sub3A_131, %sub3A_131 : vector<16xf32>
        tpu.vector_store_idx %arg7[%add3A_133], %mul3A_134 : memref<1592xf32, #tpu.memory_space<vmem>>[vector<16xi32>], vector<16xf32>,
        %add3A_135 = arith.constant 112 : i32
        %add3A_136 = vector.broadcast %add3A_135 : i32 to vector<16xi32>
        %add3A_137 = arith.addi %iota3A, %add3A_136 : vector<16xi32>
        %add3A_138 = vector.broadcast %mul3A_22 : i32 to vector<16xi32>
        %add3A_139 = arith.addi %add3A_137, %add3A_138 : vector<16xi32>
        %gather3A_140 = tpu.vector_load_idx %arg6[%add3A_139] : memref<1600xi32, #tpu.memory_space<vmem>>[vector<16xi32>], vector<16xi32>,
        %add3A_141 = arith.constant 1 : i32
        %add3A_142 = vector.broadcast %add3A_141 : i32 to vector<16xi32>
        %add3A_143 = arith.addi %add3A_139, %add3A_142 : vector<16xi32>
        %gather3A_144 = tpu.vector_load_idx %arg6[%add3A_143] : memref<1600xi32, #tpu.memory_space<vmem>>[vector<16xi32>], vector<16xi32>,
        %gather3A_145 = tpu.vector_load_idx %arg5[%gather3A_140] : memref<100000xf32, #tpu.memory_space<vmem>>[vector<16xi32>], vector<16xf32>,
        %gather3A_146 = tpu.vector_load_idx %arg5[%gather3A_144] : memref<100000xf32, #tpu.memory_space<vmem>>[vector<16xi32>], vector<16xf32>,
        %sub3A_147 = arith.subf %gather3A_145, %gather3A_146 : vector<16xf32>
        %add3A_148 = vector.broadcast %mul3A_24 : i32 to vector<16xi32>
        %add3A_149 = arith.addi %add3A_137, %add3A_148 : vector<16xi32>
        %mul3A_150 = arith.mulf %sub3A_147, %sub3A_147 : vector<16xf32>
        tpu.vector_store_idx %arg7[%add3A_149], %mul3A_150 : memref<1592xf32, #tpu.memory_space<vmem>>[vector<16xi32>], vector<16xf32>,
        %add3A_151 = arith.constant 128 : i32
        %add3A_152 = vector.broadcast %add3A_151 : i32 to vector<16xi32>
        %add3A_153 = arith.addi %iota3A, %add3A_152 : vector<16xi32>
        %add3A_154 = vector.broadcast %mul3A_22 : i32 to vector<16xi32>
        %add3A_155 = arith.addi %add3A_153, %add3A_154 : vector<16xi32>
        %gather3A_156 = tpu.vector_load_idx %arg6[%add3A_155] : memref<1600xi32, #tpu.memory_space<vmem>>[vector<16xi32>], vector<16xi32>,
        %add3A_157 = arith.constant 1 : i32
        %add3A_158 = vector.broadcast %add3A_157 : i32 to vector<16xi32>
        %add3A_159 = arith.addi %add3A_155, %add3A_158 : vector<16xi32>
        %gather3A_160 = tpu.vector_load_idx %arg6[%add3A_159] : memref<1600xi32, #tpu.memory_space<vmem>>[vector<16xi32>], vector<16xi32>,
        %gather3A_161 = tpu.vector_load_idx %arg5[%gather3A_156] : memref<100000xf32, #tpu.memory_space<vmem>>[vector<16xi32>], vector<16xf32>,
        %gather3A_162 = tpu.vector_load_idx %arg5[%gather3A_160] : memref<100000xf32, #tpu.memory_space<vmem>>[vector<16xi32>], vector<16xf32>,
        %sub3A_163 = arith.subf %gather3A_161, %gather3A_162 : vector<16xf32>
        %add3A_164 = vector.broadcast %mul3A_24 : i32 to vector<16xi32>
        %add3A_165 = arith.addi %add3A_153, %add3A_164 : vector<16xi32>
        %mul3A_166 = arith.mulf %sub3A_163, %sub3A_163 : vector<16xf32>
        tpu.vector_store_idx %arg7[%add3A_165], %mul3A_166 : memref<1592xf32, #tpu.memory_space<vmem>>[vector<16xi32>], vector<16xf32>,
        %add3A_167 = arith.constant 144 : i32
        %add3A_168 = vector.broadcast %add3A_167 : i32 to vector<16xi32>
        %add3A_169 = arith.addi %iota3A, %add3A_168 : vector<16xi32>
        %add3A_170 = vector.broadcast %mul3A_22 : i32 to vector<16xi32>
        %add3A_171 = arith.addi %add3A_169, %add3A_170 : vector<16xi32>
        %gather3A_172 = tpu.vector_load_idx %arg6[%add3A_171] : memref<1600xi32, #tpu.memory_space<vmem>>[vector<16xi32>], vector<16xi32>,
        %add3A_173 = arith.constant 1 : i32
        %add3A_174 = vector.broadcast %add3A_173 : i32 to vector<16xi32>
        %add3A_175 = arith.addi %add3A_171, %add3A_174 : vector<16xi32>
        %gather3A_176 = tpu.vector_load_idx %arg6[%add3A_175] : memref<1600xi32, #tpu.memory_space<vmem>>[vector<16xi32>], vector<16xi32>,
        %gather3A_177 = tpu.vector_load_idx %arg5[%gather3A_172] : memref<100000xf32, #tpu.memory_space<vmem>>[vector<16xi32>], vector<16xf32>,
        %gather3A_178 = tpu.vector_load_idx %arg5[%gather3A_176] : memref<100000xf32, #tpu.memory_space<vmem>>[vector<16xi32>], vector<16xf32>,
        %sub3A_179 = arith.subf %gather3A_177, %gather3A_178 : vector<16xf32>
        %add3A_180 = vector.broadcast %mul3A_24 : i32 to vector<16xi32>
        %add3A_181 = arith.addi %add3A_169, %add3A_180 : vector<16xi32>
        %mul3A_182 = arith.mulf %sub3A_179, %sub3A_179 : vector<16xf32>
        tpu.vector_store_idx %arg7[%add3A_181], %mul3A_182 : memref<1592xf32, #tpu.memory_space<vmem>>[vector<16xi32>], vector<16xf32>,
        %add3A_183 = arith.constant 160 : i32
        %add3A_184 = vector.broadcast %add3A_183 : i32 to vector<16xi32>
        %add3A_185 = arith.addi %iota3A, %add3A_184 : vector<16xi32>
        %add3A_186 = vector.broadcast %mul3A_22 : i32 to vector<16xi32>
        %add3A_187 = arith.addi %add3A_185, %add3A_186 : vector<16xi32>
        %gather3A_188 = tpu.vector_load_idx %arg6[%add3A_187] : memref<1600xi32, #tpu.memory_space<vmem>>[vector<16xi32>], vector<16xi32>,
        %add3A_189 = arith.constant 1 : i32
        %add3A_190 = vector.broadcast %add3A_189 : i32 to vector<16xi32>
        %add3A_191 = arith.addi %add3A_187, %add3A_190 : vector<16xi32>
        %gather3A_192 = tpu.vector_load_idx %arg6[%add3A_191] : memref<1600xi32, #tpu.memory_space<vmem>>[vector<16xi32>], vector<16xi32>,
        %gather3A_193 = tpu.vector_load_idx %arg5[%gather3A_188] : memref<100000xf32, #tpu.memory_space<vmem>>[vector<16xi32>], vector<16xf32>,
        %gather3A_194 = tpu.vector_load_idx %arg5[%gather3A_192] : memref<100000xf32, #tpu.memory_space<vmem>>[vector<16xi32>], vector<16xf32>,
        %sub3A_195 = arith.subf %gather3A_193, %gather3A_194 : vector<16xf32>
        %add3A_196 = vector.broadcast %mul3A_24 : i32 to vector<16xi32>
        %add3A_197 = arith.addi %add3A_185, %add3A_196 : vector<16xi32>
        %mul3A_198 = arith.mulf %sub3A_195, %sub3A_195 : vector<16xf32>
        tpu.vector_store_idx %arg7[%add3A_197], %mul3A_198 : memref<1592xf32, #tpu.memory_space<vmem>>[vector<16xi32>], vector<16xf32>,
        %add3A_199 = arith.constant 176 : i32
        %add3A_200 = vector.broadcast %add3A_199 : i32 to vector<16xi32>
        %add3A_201 = arith.addi %iota3A, %add3A_200 : vector<16xi32>
        %add3A_202 = vector.broadcast %mul3A_22 : i32 to vector<16xi32>
        %add3A_203 = arith.addi %add3A_201, %add3A_202 : vector<16xi32>
        %gather3A_204 = tpu.vector_load_idx %arg6[%add3A_203] : memref<1600xi32, #tpu.memory_space<vmem>>[vector<16xi32>], vector<16xi32>,
        %add3A_205 = arith.constant 1 : i32
        %add3A_206 = vector.broadcast %add3A_205 : i32 to vector<16xi32>
        %add3A_207 = arith.addi %add3A_203, %add3A_206 : vector<16xi32>
        %gather3A_208 = tpu.vector_load_idx %arg6[%add3A_207] : memref<1600xi32, #tpu.memory_space<vmem>>[vector<16xi32>], vector<16xi32>,
        %gather3A_209 = tpu.vector_load_idx %arg5[%gather3A_204] : memref<100000xf32, #tpu.memory_space<vmem>>[vector<16xi32>], vector<16xf32>,
        %gather3A_210 = tpu.vector_load_idx %arg5[%gather3A_208] : memref<100000xf32, #tpu.memory_space<vmem>>[vector<16xi32>], vector<16xf32>,
        %sub3A_211 = arith.subf %gather3A_209, %gather3A_210 : vector<16xf32>
        %add3A_212 = vector.broadcast %mul3A_24 : i32 to vector<16xi32>
        %add3A_213 = arith.addi %add3A_201, %add3A_212 : vector<16xi32>
        %mul3A_214 = arith.mulf %sub3A_211, %sub3A_211 : vector<16xf32>
        tpu.vector_store_idx %arg7[%add3A_213], %mul3A_214 : memref<1592xf32, #tpu.memory_space<vmem>>[vector<16xi32>], vector<16xf32>,
        %add3A_215 = arith.constant 192 : i32
        %add3A_216 = vector.broadcast %add3A_215 : i32 to vector<16xi32>
        %add3A_217 = arith.addi %iota3A, %add3A_216 : vector<16xi32>
        %min3A = arith.constant 198 : i32
        %min3A_218 = vector.broadcast %min3A : i32 to vector<16xi32>
        %min3A_219 = arith.minsi %add3A_217, %min3A_218 : vector<16xi32>
        %lt3A = arith.constant 199 : i32
        %lt3A_220 = vector.broadcast %lt3A : i32 to vector<16xi32>
        %lt3A_221 = arith.cmpi slt, %add3A_217, %lt3A_220 : vector<16xi32>
        %add3A_222 = vector.broadcast %mul3A_22 : i32 to vector<16xi32>
        %add3A_223 = arith.addi %min3A_219, %add3A_222 : vector<16xi32>
        %gather3A_224 = tpu.vector_load_idx %arg6[%add3A_223] : memref<1600xi32, #tpu.memory_space<vmem>>[vector<16xi32>], vector<16xi32>,
        %add3A_225 = arith.constant 1 : i32
        %add3A_226 = vector.broadcast %add3A_225 : i32 to vector<16xi32>
        %add3A_227 = arith.addi %add3A_223, %add3A_226 : vector<16xi32>
        %gather3A_228 = tpu.vector_load_idx %arg6[%add3A_227] : memref<1600xi32, #tpu.memory_space<vmem>>[vector<16xi32>], vector<16xi32>,
        %gather3A_229 = tpu.vector_load_idx %arg5[%gather3A_224] : memref<100000xf32, #tpu.memory_space<vmem>>[vector<16xi32>], vector<16xf32>,
        %gather3A_230 = tpu.vector_load_idx %arg5[%gather3A_228] : memref<100000xf32, #tpu.memory_space<vmem>>[vector<16xi32>], vector<16xf32>,
        %sub3A_231 = arith.subf %gather3A_229, %gather3A_230 : vector<16xf32>
        %add3A_232 = vector.broadcast %mul3A_24 : i32 to vector<16xi32>
        %add3A_233 = arith.addi %add3A_217, %add3A_232 : vector<16xi32>
        %mul3A_234 = arith.mulf %sub3A_231, %sub3A_231 : vector<16xf32>
        tpu.vector_store_idx %arg7[%add3A_233], %mul3A_234 masked %lt3A_221 : memref<1592xf32, #tpu.memory_space<vmem>>[vector<16xi32>], vector<16xf32>, vector<16xi1>
      }
      %scan3A_17 = arith.constant 8 : i32
      %mul3A_18 = arith.constant 1592 : i32
      %mul3A_19 = arith.muli %add3A_9, %mul3A_18 : i32
      "tpu.region"() ({
        %run_scoped3A = tpu.sem_alloc : memref<!tpu.dma_semaphore, #tpu.memory_space<semaphore_mem>>
        %dma_start3A = tpu.memref_slice %arg4[%mul3A_19] : memref<3260416xf32, #tpu.memory_space<hbm>> -> memref<1592xf32, #tpu.memory_space<hbm>>
        %dma_start3A_20 = tpu.memref_slice %arg4[%mul3A_19] : memref<3260416xf32, #tpu.memory_space<hbm>> -> memref<1592xf32, #tpu.memory_space<hbm>>
        tpu.enqueue_dma source(%arg7 : memref<1592xf32, #tpu.memory_space<vmem>>) target(%dma_start3A_20 : memref<1592xf32, #tpu.memory_space<hbm>>) target_semaphore(%run_scoped3A : memref<!tpu.dma_semaphore, #tpu.memory_space<semaphore_mem>>)
        %dma_wait3A = tpu.memref_slice %arg4[%mul3A_19] : memref<3260416xf32, #tpu.memory_space<hbm>> -> memref<1592xf32, #tpu.memory_space<hbm>>
        %dma_wait3A_21 = tpu.memref_slice %arg4[%mul3A_19] : memref<3260416xf32, #tpu.memory_space<hbm>> -> memref<1592xf32, #tpu.memory_space<hbm>>
        tpu.wait_dma2 semaphore(%run_scoped3A : memref<!tpu.dma_semaphore, #tpu.memory_space<semaphore_mem>>) src(%arg7 : memref<1592xf32, #tpu.memory_space<vmem>>) dst(%dma_wait3A_21 : memref<1592xf32, #tpu.memory_space<hbm>>)
        tpu.yield
      }) : () -> ()
    }
    %scan3A_5 = arith.constant 64 : i32
    return
  }
}

</mosaic_0001>

<sc_bundles>
// kernel: _run.3.cloned.1.call-start
scs
__scs_entry_jumppad:
0x0: {  	(pc) =	sbr.rel $0x88, $3  }
0x1: {  	(tag) =	ssettag $0x0;
	lr =	simm.s32 $0x1  }
0x2: {  	[smem:$0x3F9F] =	sst lr;
	_ =	strace $0xD0000000  }
0x3: {  	_ = 	snop  }
0x4: {  	_ = 	snop  }
0x5: {  	_ = 	snop  }
0x6: {  	_ = 	snop  }
0x7: {  	_ = 	snop  }
__scs_overlays_trampoline_lowered:
0x8: {  	[smem:$0x3FAE] =	sst s0  }
0x9: {  	[smem:$0x3FAF] =	sst s1  }
0xa: {  	[smem:$0x3FB0] =	sst s2  }
0xb: {  	[smem:$0x3FB1] =	sst s3  }
0xc: {  	[smem:$0x3FB2] =	sst s4  }
0xd: {  	[smem:$0x3FB3] =	sst s5  }
0xe: {  	[smem:$0x3FB4] =	sst s6  }
0xf: {  	[smem:$0x3FB5] =	sst s7  }
0x10: {  	[smem:$0x3FB6] =	sst s8  }
0x11: {  	[smem:$0x3FB7] =	sst s9;
	s0 =	simm.s32 @!p0 $0x0  }
0x12: {  	s1 =	sld [smem:$0x3F9D];
	s0 =	simm.s32 @p0 $0x1  }
0x13: {  	[smem:$0x3FB8] =	sst s0;
	s0 =	simm.s32 @!p1 $0x0  }
0x14: {  	s2 =	sld [smem:$0x3F9C];
	s0 =	simm.s32 @p1 $0x1  }
0x15: {  	[smem:$0x3FB9] =	sst s0;
	s0 =	simm.s32 @!p2 $0x0  }
0x16: {  	s3 =	sld [smem:$0x3FDB];
	s0 =	simm.s32 @p2 $0x1  }
0x17: {  	s4 =	simm.s32 $0x1BF5;
	[smem:$0x3FBB] =	sst s0  }
0x18: {  	s0 =	sld [smem:$0x3F9E];
	_ =	swait.ge [sflag:s4], $0x0  }
0x19: {  	s7 =	sld [smem:$0x3F9F]  }
0x1a: {  	s8 =	sadd.s32 $0xFFFFE003, lr  }
0x1b: {  	s9 =	sadd.s32 $0xFFFFFEF7, lr;
	s5 =	simm.s32 $0xFFFFFFFF;
	p2 =	slt.u32 s8, $0xFFFFF086  }
0x1c: {  	p1 =	slt.u32 s9, $0xF7A;
	s5 =	simm.s32 @!p2 $0x0  }
0x1d: {  	s5 =	simm.s32 @p1 $0x1;
	p0 =	seq.s32 s7, s2  }
0x1e: {  	s7 =	smul.u32 @!p0 $0xF7A, s2;
	p2 =	seq.s32 @!p0 s5, $0x0  }
0x1f: {  	s9 =	smul.u32 $0xF7A, s1;
	s8 =	simm.s32 @!p0 $0x1BF5;
	p2 =	por !p2, p0  }
0x20: {  	[sflag:s8] =	ssyncset.s32 @!p0 $0xFFFFF086;
	s6 =	sadd.s32 @!p0 s3, s7;
	s7 =	simm.s32 @!p0 $0x108  }
0x21: {  	s3 =	sadd.s32 s3, s9;
	s6 =	sadd.s32 @!p0 $0x88, s6;
	s7 =	simm.s32 @p2 $0x1082  }
0x22: {  	[simem:s7], [sflag:s8] =	dma.local @!p0 [hbm:s6], $0xF7A  }
0x23: {  	s9 =	sor.u32 $0xD0000000, s2;
	s6 =	simm.s32 $0x108;
	_ =	swait.ge @!p0 [sflag:s8], $0x0  }
0x24: {  	s3 =	sadd.s32 $0x88, s3;
	s6 =	simm.s32 @!p1 $0x1082;
	[sflag:s4] =	ssyncset.s32 $0xFFFFF086  }
0x25: {  	[simem:s6], [sflag:s4] =	dma.local [hbm:s3], $0xF7A  }
0x26: {  	[smem:$0x3F9F] =	sst s1;
	(tag) =	ssettag s2;
	_ =	strace s9  }
0x27: {  	s1 =	sld [smem:$0x3FAF]  }
0x28: {  	s2 =	sld [smem:$0x3FB0]  }
0x29: {  	s4 =	sld [smem:$0x3FB2]  }
0x2a: {  	p0 =	seq.s32 s5, $0x0;
	s5 =	sld [smem:$0x3FB3]  }
0x2b: {  	s6 =	sld [smem:$0x3FB4]  }
0x2c: {  	s7 =	sld [smem:$0x3FB5]  }
0x2d: {  	s3 =	simm.s32 $0x108;
	s8 =	sld [smem:$0x3FB6]  }
0x2e: {  	s3 =	simm.s32 @!p0 $0x1082;
	s9 =	sld [smem:$0x3FB7]  }
0x2f: {  	lr =	sadd.s32 s0, s3;
	s0 =	sld [smem:$0x3FAE]  }
0x30: {  	s3 =	sld [smem:$0x3FB1]  }
0x31: {  	[smem:$0x3FBA] =	sst s10  }
0x32: {  	s10 =	sld [smem:$0x3FB8];
	_ =	sdelay $0x3  }
0x33: {  	p0 =	seq.s32 s10, $0x1;
	s10 =	sld [smem:$0x3FBA];
	_ =	sdelay $0x3  }
0x34: {  	[smem:$0x3FBA] =	sst s10  }
0x35: {  	s10 =	sld [smem:$0x3FB9];
	_ =	sdelay $0x3  }
0x36: {  	p1 =	seq.s32 s10, $0x1;
	s10 =	sld [smem:$0x3FBA];
	_ =	sdelay $0x3  }
0x37: {  	[smem:$0x3FBA] =	sst s10  }
0x38: {  	s10 =	sld [smem:$0x3FBB]  }
0x39: {  	_ = 	snop;
	(pc) =	sbr.ind lr, $3  }
0x3a: {  	_ = 	snop  }
0x3b: {  	_ = 	snop  }
0x3c: {  	p2 =	seq.s32 s10, $0x1;
	s10 =	sld [smem:$0x3FBA]  }
0x3d: {  	_ =	shalt  }
0x3e: {  	_ =	shalt  }
0x3f: {  	_ =	shalt  }
0x40: {  	_ =	shalt  }
0x41: {  	_ =	shalt  }
0x42: {  	_ =	shalt  }
0x43: {  	_ =	shalt  }
0x44: {  	_ =	shalt  }
0x45: {  	_ =	shalt  }
0x46: {  	_ =	shalt  }
0x47: {  	_ =	shalt  }
0x48: {  	_ =	shalt  }
0x49: {  	_ =	shalt  }
0x4a: {  	_ =	shalt  }
0x4b: {  	_ =	shalt  }
0x4c: {  	_ =	shalt  }
0x4d: {  	_ =	shalt  }
0x4e: {  	_ =	shalt  }
0x4f: {  	_ =	shalt  }
0x50: {  	_ =	shalt  }
0x51: {  	_ =	shalt  }
0x52: {  	_ =	shalt  }
0x53: {  	_ =	shalt  }
0x54: {  	_ =	shalt  }
0x55: {  	_ =	shalt  }
0x56: {  	_ =	shalt  }
0x57: {  	_ =	shalt  }
0x58: {  	_ =	shalt  }
0x59: {  	_ =	shalt  }
0x5a: {  	_ =	shalt  }
0x5b: {  	_ =	shalt  }
0x5c: {  	_ =	shalt  }
0x5d: {  	_ =	shalt  }
0x5e: {  	_ =	shalt  }
0x5f: {  	_ =	shalt  }
0x60: {  	_ =	shalt  }
0x61: {  	_ =	shalt  }
0x62: {  	_ =	shalt  }
0x63: {  	_ =	shalt  }
0x64: {  	_ =	shalt  }
0x65: {  	_ =	shalt  }
0x66: {  	_ =	shalt  }
0x67: {  	_ =	shalt  }
0x68: {  	_ =	shalt  }
0x69: {  	_ =	shalt  }
0x6a: {  	_ =	shalt  }
0x6b: {  	_ =	shalt  }
0x6c: {  	_ =	shalt  }
0x6d: {  	_ =	shalt  }
0x6e: {  	_ =	shalt  }
0x6f: {  	_ =	shalt  }
0x70: {  	_ =	shalt  }
0x71: {  	_ =	shalt  }
0x72: {  	_ =	shalt  }
0x73: {  	_ =	shalt  }
0x74: {  	_ =	shalt  }
0x75: {  	_ =	shalt  }
0x76: {  	_ =	shalt  }
0x77: {  	_ =	shalt  }
0x78: {  	_ =	shalt  }
0x79: {  	_ =	shalt  }
0x7a: {  	_ =	shalt  }
0x7b: {  	_ =	shalt  }
0x7c: {  	_ =	shalt  }
0x7d: {  	_ =	shalt  }
0x7e: {  	_ =	shalt  }
0x7f: {  	_ =	shalt  }
0x80: {  	_ =	shalt  }
0x81: {  	_ =	shalt  }
0x82: {  	_ =	shalt  }
0x83: {  	_ =	shalt  }
0x84: {  	_ =	shalt  }
0x85: {  	_ =	shalt  }
0x86: {  	_ =	shalt  }
0x87: {  	_ =	shalt  }
.Lfunc_end0:
.L_simem_size_0:
called_computation_lowered:
.L_overlay_start_0:
0x88: {  	s2 =	sld [smem:$0x3FD9]  }
0x89: {  	s3 =	sld [smem:$0x3FFE];
	_ =	sdelay $0x1  }
0x8a: {  	s1 =	srdreg.scid  }
0x8b: {  	s0 =	sand.u32 $0x1, s1  }
0x8c: {  	s18 =	sshll.u32 s0, $0xA;
	s2 =	sadd.s32 s3, s2  }
0x8d: {  	s2 =	sadd.s32 s2, s18  }
0x8e: {  	[smem:$0x3FC6] =	sst s2  }
0x8f: {  	_ = 	snop  }
0x90: {  	s2 =	sld [smem:$0x3FC9]  }
0x91: {  	s19 =	sld [smem:$0x3FC8]  }
0x92: {  	s4 =	sld [smem:$0x3FD0];
	(tm) =	ssettm $0x1  }
0x93: {  	s5 =	sld [smem:$0x3FFB];
	_ =	sdelay $0x3  }
0x94: {  	_ =	strace s5  }
0x95: {  	s5 =	sld [smem:$0x3FFC];
	_ =	sdelay $0x3  }
0x96: {  	_ =	strace s5  }
0x97: {  	s5 =	sld [smem:$0x3FFD];
	_ =	sdelay $0x3  }
0x98: {  	_ =	strace s5  }
0x99: {  	_ =	strace $0x8FFFFFFF  }
0x9a: {  	s20 =	sld [smem:$0x3FDB];
	_ =	sdelay $0x1  }
0x9b: {  	s6 =	simm.s32 $_scs_section_size  }
0x9c: {  	s7 =	simm.s32 $_size__tile_overlayer_lowered;
	s8 =	simm.s32 $_tile_overlayer_lowered  }
0x9d: {  	s23 =	simm.s32 $0x1BFF;
	s22 =	sshll.u32 s8, $0x1;
	s5 =	sadd.s32 s6, s20  }
0x9e: {  	s9 =	simm.s32 $0x0;
	s21 =	sshll.u32 s7, $0x1;
	s7 =	sadd.s32 s22, s5  }
0x9f: {  	[timem:s9], [sflag:s23] =	dma.local [hbm:s7], s21  }
0xa0: {  	_ =	swait.ge [sflag:s23], s21  }
0xa1: {  	s6 =	ssub.s32 $0x0, s21;
	[sflag:s23] =	ssyncset.done $0x0  }
0xa2: {  	[sflag:s23] =	ssyncadd.s32 s6;
	_ =	sdelay $0x1  }
0xa3: {  	s24 =	simm.s32 $0x1B8B  }
0xa4: {  	_ =	swait.ge [sflag:s24], $0x1  }
0xa5: {  	[sflag:s24] =	ssyncset.done $0x0  }
0xa6: {  	s25 =	simm.s32 $0x1B8E;
	[sflag:s24] =	ssyncadd.s32 $0xFFFFFFFF  }
0xa7: {  	s26 =	simm.s32 $execute0_lowered;
	[smem:$0x3FD2] =	sst s25  }
0xa8: {  	s6 =	sshll.u32 s26, $0x1;
	_ =	strace $0x80000046;
	[dreg:$0x1] =	wrdreg $0xFFFFFFFF  }
0xa9: {  	s28 =	simm.s32 $_size_execute0_lowered;
	s5 =	sadd.s32 s5, s6;
	[dreg:$0x0] =	wrdreg $0x0  }
0xaa: {  	s6 =	sshll.u32 s28, $0x1;
	[dreg:$0x2] =	wrdreg s5  }
0xab: {  	[dreg:$0x3] =	wrdreg s6  }
0xac: {  	[dreg:$0x4] =	wrdreg $0xC0  }
0xad: {  	_ =	task [dreg:s9], $0x5FFFF  }
0xae: {  	[dreg:$0x1] =	wrdreg $0xFFFFFFFF  }
0xaf: {  	[dreg:$0x0] =	wrdreg $0x60  }
0xb0: {  	[dreg:$0x2] =	wrdreg s2  }
0xb1: {  	[dreg:$0x3] =	wrdreg s19  }
0xb2: {  	[dreg:$0x4] =	wrdreg s4  }
0xb3: {  	[dreg:$0x5] =	wrdreg $0x9  }
0xb4: {  	_ =	task.clear_ibuf [dreg:s9], $0x6FFFF;
	_ =	strace $0x90000046  }
0xb5: {  	s29 =	simm.s32 $0x9;
	_ =	strace $0x80000048  }
0xb6: {  	_ =	swait.ge [sflag:s29], $0x1  }
0xb7: {  	[sflag:s29] =	ssyncadd.s32 $0xFFFFFFFF  }
0xb8: {  	_ =	strace $0x90000048  }
0xb9: {  	_ =	sfence  }
0xba: {  	s30 =	sld [smem:$0x0];
	_ =	sdelay $0x2  }
0xbb: {  	s31 =	sshll.u32 s1, $0xD;
	s1 =	sshrl.u32 s1, $0x2  }
0xbc: {  	s3 =	sand.u32 $0x4000, s31;
	s1 =	sadd.s32 s1, s30  }
0xbd: {  	s0 =	sor.u32 s3, s0;
	s1 =	sshll.u32 s1, $0x11  }
0xbe: {  	s0 =	sor.u32 s1, s0  }
0xbf: {  	s0 =	sadd.s32 $0x8F2B, s0  }
0xc0: {  	[sflag:s0] =	ssyncadd.remote.s32 $0x1  }
0xc1: {  	_ =	sfence.sel $0xFFFF  }
0xc2: {  	[dreg:$0x0] =	wrdreg $0xFFFFFFFF;
	(pc) =	sbr.abs _section_cstart, $3  }
0xc3: {  	[dreg:$0x1] =	wrdreg $0xFFFFFFFF  }
0xc4: {  	_ =	task.clear_ibuf [dreg:s9], $0x2FFFF;
	_ =	strace $0x9FFFFFFF  }
0xc5: {  	(tm) =	ssettm $0x7FFFFFFF  }
tec
execute0_lowered:
.L_overlay_start_1:
0x0: {  	(tag) =	ssettag $0x1  }
0x1: {  	v0 =	vlaneseq.u32  }
0x2: {  	v21 =	vimm.s32 $0xC3C2C1C0;
	v22 =	vimm.s32 $0xC4C3C2C1;
	vm0 =	vcmask $0xF00  }
0x3: {  	vm1 =	vcmask $0x1310;
	vm15 =	vcmask $0x1714;
	v1 =	vadd.s32 $0x1, v0  }
0x4: {  	v2 =	vor.u32 $0x10, v0;
	v3 =	vadd.s32 $0x11, v0;
	v4 =	vor.u32 $0x20, v0  }
0x5: {  	v5 =	vadd.s32 $0x21, v0;
	v6 =	vor.u32 $0x30, v0;
	v7 =	vadd.s32 $0x31, v0  }
0x6: {  	s0 =	rddreg [dreg:$0x0];
	v8 =	vor.u32 $0x40, v0;
	v9 =	vadd.s32 $0x41, v0;
	v10 =	vor.u32 $0x50, v0  }
0x7: {  	s1 =	rddreg [dreg:$0x1];
	v11 =	vadd.s32 $0x51, v0;
	v12 =	vor.u32 $0x60, v0;
	v13 =	vadd.s32 $0x61, v0  }
0x8: {  	s3 =	rddreg [dreg:$0x2];
	v14 =	vor.u32 $0x70, v0;
	v15 =	vadd.s32 $0x71, v0;
	v16 =	vor.u32 $0x80, v0  }
0x9: {  	s5 =	srdreg.scid;
	s2 =	rddreg [dreg:$0x3];
	s4 =	simm.s32 $0x0;
	v17 =	vadd.s32 $0x81, v0;
	v24 =	vunpack.c.0.s8.s32 v21;
	v25 =	vunpack.c.0.s8.s32 v22  }
0xa: {  	s9 =	simm.s32 $0x18700;
	s10 =	simm.s32 $0x18D80;
	v18 =	vor.u32 $0x90, v0;
	v19 =	vadd.s32 $0x91, v0;
	s6 =	sand.u32 $0x1, s5;
	v20 =	vor.u32 $0xA0, v0  }
0xb: {  	s11 =	simm.s32 $0x0;
	[smem:$0x7FF] =	sst s4;
	v21 =	vadd.s32 $0xA1, v0;
	s7 =	ssub.s32 $0x2, s6;
	v24 =	vand.u32 $0xFF, v24;
	v25 =	vand.u32 $0xFF, v25  }
0xc: {  	v22 =	vor.u32 $0xB0, v0;
	s5 =	stileid.u32;
	_ =	strace $0x80000047;
	s8 =	sshrl.u32 s7, $0x1;
	v24 =	vnsel vm0, $0xC6, v24;
	v25 =	vnsel vm0, $0xC7, v25  }
0xd: {  	v23 =	vadd.s32 $0xB1, v0;
	s6 =	sshll.u32 s6, $0xA;
	s31 =	sshll.u32 s5, $0x6;
	s7 =	ssub.s32 s7, s8;
	v24 =	vsel vm1, $0xC4, v24;
	v25 =	vsel vm1, $0xC5, v25  }
0xe: {  	v26 =	vor.u32 $0xC0, v0;
	s6 =	sor.u32 s31, s6;
	s8 =	simm.s32 $0x1;
	s7 =	smax.u32 s7, $0x1;
	v24 =	vsel vm15, $0xC5, v24;
	v25 =	vsel vm15, $0xC6, v25  }
.LBB2_1:
0xf: {  	[tilespmem:s4], [sflag:$0x1] =	stream.linear.gather [hbm4b:s1+s4], $0x18700, $0x38;
	[tilespmem:$0x19400] =	vst v63  }
0x10: {  	_ =	swait.ge [sflag:s8], $0x18700  }
0x11: {  	[sflag:s8] =	ssyncset.done $0x0  }
0x12: {  	s12 =	simm.s32 $0x0;
	[sflag:s8] =	ssyncadd.s32 $0xFFFE7900  }
.LBB2_2:
0x13: {  	s13 =	sadd.s32 s6, s12  }
0x14: {  	s14 =	smul.u32 $0xC8, s13;
	_ =	sdelay $0x1  }
0x15: {  	s15 =	sadd.s32 s0, s14;
	s14 =	simm.s32 $0x0  }
0x16: {  	[tilespmem:s9], [sflag:$0x1] =	stream.linear.gather [hbm4b:s15+s14], $0x640, $0x38;
	[tilespmem:$0x19400] =	vst v63  }
0x17: {  	_ =	swait.ge [sflag:s8], $0x640  }
0x18: {  	[sflag:s8] =	ssyncset.done $0x0  }
0x19: {  	s15 =	simm.s32 $0x0;
	[sflag:s8] =	ssyncadd.s32 $0xFFFFF9C0  }
.LBB2_3:
0x1a: {  	v27 =	vadd.s32 s15, v0  }
0x1b: {  	v28 =	vadd.s32 s15, v1;
	_ =	sdelay $0x3  }
0x1c: {  	v27 =	vld.idx.msk [tilespmem:v27+s9+$0x0], $0xffff  }
0x1d: {  	v28 =	vld.idx.msk [tilespmem:v28+s9+$0x0], $0xffff;
	_ =	sdelay $0x6  }
0x1e: {  	v27 =	vld.idx.msk [tilespmem:v27+s4+$0x0], $0xffff  }
0x1f: {  	v28 =	vld.idx.msk [tilespmem:v28+s4+$0x0], $0xffff;
	_ =	sdelay $0x3  }
0x20: {  	v29 =	vadd.s32 s14, v0  }
0x21: {  	v48 =	vadd.s32 s15, v2;
	v27 =	vsub.f32 v27, v28  }
0x22: {  	v30 =	vadd.s32 s15, v3  }
0x23: {  	v27 =	vmul.f32 v27, v27;
	_ =	sdelay $0x1  }
0x24: {  	[tilespmem:v29+s10+$0x0] =	vst.idx.msk $0xffff, v27  }
0x25: {  	v27 =	vld.idx.msk [tilespmem:v48+s9+$0x0], $0xffff  }
0x26: {  	v49 =	vld.idx.msk [tilespmem:v30+s9+$0x0], $0xffff;
	_ =	sdelay $0x6  }
0x27: {  	v27 =	vld.idx.msk [tilespmem:v27+s4+$0x0], $0xffff  }
0x28: {  	v28 =	vld.idx.msk [tilespmem:v49+s4+$0x0], $0xffff;
	_ =	sdelay $0x3  }
0x29: {  	v50 =	vadd.s32 s14, v2  }
0x2a: {  	v51 =	vadd.s32 s15, v4;
	v27 =	vsub.f32 v27, v28  }
0x2b: {  	v52 =	vadd.s32 s15, v5  }
0x2c: {  	v27 =	vmul.f32 v27, v27;
	_ =	sdelay $0x1  }
0x2d: {  	[tilespmem:v50+s10+$0x0] =	vst.idx.msk $0xffff, v27  }
0x2e: {  	v27 =	vld.idx.msk [tilespmem:v51+s9+$0x0], $0xffff  }
0x2f: {  	v53 =	vld.idx.msk [tilespmem:v52+s9+$0x0], $0xffff;
	_ =	sdelay $0x6  }
0x30: {  	v27 =	vld.idx.msk [tilespmem:v27+s4+$0x0], $0xffff  }
0x31: {  	v28 =	vld.idx.msk [tilespmem:v53+s4+$0x0], $0xffff;
	_ =	sdelay $0x3  }
0x32: {  	v54 =	vadd.s32 s14, v4  }
0x33: {  	v55 =	vadd.s32 s15, v6;
	v27 =	vsub.f32 v27, v28  }
0x34: {  	v56 =	vadd.s32 s15, v7  }
0x35: {  	v27 =	vmul.f32 v27, v27;
	_ =	sdelay $0x1  }
0x36: {  	[tilespmem:v54+s10+$0x0] =	vst.idx.msk $0xffff, v27  }
0x37: {  	v27 =	vld.idx.msk [tilespmem:v55+s9+$0x0], $0xffff  }
0x38: {  	v57 =	vld.idx.msk [tilespmem:v56+s9+$0x0], $0xffff;
	_ =	sdelay $0x6  }
0x39: {  	v27 =	vld.idx.msk [tilespmem:v27+s4+$0x0], $0xffff  }
0x3a: {  	v28 =	vld.idx.msk [tilespmem:v57+s4+$0x0], $0xffff;
	_ =	sdelay $0x3  }
0x3b: {  	v58 =	vadd.s32 s14, v6  }
0x3c: {  	v59 =	vadd.s32 s15, v8;
	v27 =	vsub.f32 v27, v28  }
0x3d: {  	v60 =	vadd.s32 s15, v9  }
0x3e: {  	v27 =	vmul.f32 v27, v27;
	_ =	sdelay $0x1  }
0x3f: {  	[tilespmem:v58+s10+$0x0] =	vst.idx.msk $0xffff, v27  }
0x40: {  	v27 =	vld.idx.msk [tilespmem:v59+s9+$0x0], $0xffff  }
0x41: {  	v61 =	vld.idx.msk [tilespmem:v60+s9+$0x0], $0xffff;
	_ =	sdelay $0x6  }
0x42: {  	v27 =	vld.idx.msk [tilespmem:v27+s4+$0x0], $0xffff  }
0x43: {  	v28 =	vld.idx.msk [tilespmem:v61+s4+$0x0], $0xffff;
	_ =	sdelay $0x3  }
0x44: {  	v62 =	vadd.s32 s14, v8  }
0x45: {  	v63 =	vadd.s32 s15, v10;
	v27 =	vsub.f32 v27, v28  }
0x46: {  	v33 =	vadd.s32 s15, v11  }
0x47: {  	v27 =	vmul.f32 v27, v27;
	_ =	sdelay $0x1  }
0x48: {  	[tilespmem:v62+s10+$0x0] =	vst.idx.msk $0xffff, v27  }
0x49: {  	v27 =	vld.idx.msk [tilespmem:v63+s9+$0x0], $0xffff  }
0x4a: {  	v34 =	vld.idx.msk [tilespmem:v33+s9+$0x0], $0xffff;
	_ =	sdelay $0x6  }
0x4b: {  	v27 =	vld.idx.msk [tilespmem:v27+s4+$0x0], $0xffff  }
0x4c: {  	v28 =	vld.idx.msk [tilespmem:v34+s4+$0x0], $0xffff;
	_ =	sdelay $0x3  }
0x4d: {  	v35 =	vadd.s32 s14, v10  }
0x4e: {  	v36 =	vadd.s32 s15, v12;
	v27 =	vsub.f32 v27, v28  }
0x4f: {  	v37 =	vadd.s32 s15, v13  }
0x50: {  	v27 =	vmul.f32 v27, v27;
	_ =	sdelay $0x1  }
0x51: {  	[tilespmem:v35+s10+$0x0] =	vst.idx.msk $0xffff, v27  }
0x52: {  	v27 =	vld.idx.msk [tilespmem:v36+s9+$0x0], $0xffff  }
0x53: {  	v38 =	vld.idx.msk [tilespmem:v37+s9+$0x0], $0xffff;
	_ =	sdelay $0x6  }
0x54: {  	v27 =	vld.idx.msk [tilespmem:v27+s4+$0x0], $0xffff  }
0x55: {  	v28 =	vld.idx.msk [tilespmem:v38+s4+$0x0], $0xffff;
	_ =	sdelay $0x3  }
0x56: {  	v39 =	vadd.s32 s14, v12  }
0x57: {  	v40 =	vadd.s32 s15, v14;
	v27 =	vsub.f32 v27, v28  }
0x58: {  	v41 =	vadd.s32 s15, v15  }
0x59: {  	v27 =	vmul.f32 v27, v27;
	_ =	sdelay $0x1  }
0x5a: {  	[tilespmem:v39+s10+$0x0] =	vst.idx.msk $0xffff, v27  }
0x5b: {  	v27 =	vld.idx.msk [tilespmem:v40+s9+$0x0], $0xffff  }
0x5c: {  	v42 =	vld.idx.msk [tilespmem:v41+s9+$0x0], $0xffff;
	_ =	sdelay $0x6  }
0x5d: {  	v27 =	vld.idx.msk [tilespmem:v27+s4+$0x0], $0xffff  }
0x5e: {  	v28 =	vld.idx.msk [tilespmem:v42+s4+$0x0], $0xffff;
	_ =	sdelay $0x3  }
0x5f: {  	v43 =	vadd.s32 s14, v14  }
0x60: {  	v44 =	vadd.s32 s15, v16;
	v27 =	vsub.f32 v27, v28  }
0x61: {  	v45 =	vadd.s32 s15, v17  }
0x62: {  	v27 =	vmul.f32 v27, v27;
	_ =	sdelay $0x1  }
0x63: {  	[tilespmem:v43+s10+$0x0] =	vst.idx.msk $0xffff, v27  }
0x64: {  	v27 =	vld.idx.msk [tilespmem:v44+s9+$0x0], $0xffff  }
0x65: {  	v46 =	vld.idx.msk [tilespmem:v45+s9+$0x0], $0xffff;
	_ =	sdelay $0x6  }
0x66: {  	v27 =	vld.idx.msk [tilespmem:v27+s4+$0x0], $0xffff  }
0x67: {  	v28 =	vld.idx.msk [tilespmem:v46+s4+$0x0], $0xffff;
	_ =	sdelay $0x3  }
0x68: {  	v47 =	vadd.s32 s14, v16  }
0x69: {  	v48 =	vadd.s32 s15, v18;
	v27 =	vsub.f32 v27, v28  }
0x6a: {  	v49 =	vadd.s32 s15, v19  }
0x6b: {  	v27 =	vmul.f32 v27, v27;
	_ =	sdelay $0x1  }
0x6c: {  	[tilespmem:v47+s10+$0x0] =	vst.idx.msk $0xffff, v27  }
0x6d: {  	v27 =	vld.idx.msk [tilespmem:v48+s9+$0x0], $0xffff  }
0x6e: {  	v50 =	vld.idx.msk [tilespmem:v49+s9+$0x0], $0xffff;
	_ =	sdelay $0x6  }
0x6f: {  	v27 =	vld.idx.msk [tilespmem:v27+s4+$0x0], $0xffff  }
0x70: {  	v28 =	vld.idx.msk [tilespmem:v50+s4+$0x0], $0xffff;
	_ =	sdelay $0x3  }
0x71: {  	v51 =	vadd.s32 s14, v18  }
0x72: {  	v52 =	vadd.s32 s15, v20;
	v27 =	vsub.f32 v27, v28  }
0x73: {  	v53 =	vadd.s32 s15, v21  }
0x74: {  	v27 =	vmul.f32 v27, v27;
	_ =	sdelay $0x1  }
0x75: {  	[tilespmem:v51+s10+$0x0] =	vst.idx.msk $0xffff, v27  }
0x76: {  	v27 =	vld.idx.msk [tilespmem:v52+s9+$0x0], $0xffff  }
0x77: {  	v54 =	vld.idx.msk [tilespmem:v53+s9+$0x0], $0xffff;
	_ =	sdelay $0x6  }
0x78: {  	v27 =	vld.idx.msk [tilespmem:v27+s4+$0x0], $0xffff  }
0x79: {  	v28 =	vld.idx.msk [tilespmem:v54+s4+$0x0], $0xffff;
	_ =	sdelay $0x3  }
0x7a: {  	v55 =	vadd.s32 s14, v20  }
0x7b: {  	v56 =	vadd.s32 s15, v22;
	v27 =	vsub.f32 v27, v28  }
0x7c: {  	v57 =	vadd.s32 s15, v23  }
0x7d: {  	v27 =	vmul.f32 v27, v27;
	_ =	sdelay $0x1  }
0x7e: {  	[tilespmem:v55+s10+$0x0] =	vst.idx.msk $0xffff, v27  }
0x7f: {  	v27 =	vld.idx.msk [tilespmem:v56+s9+$0x0], $0xffff  }
0x80: {  	v58 =	vld.idx.msk [tilespmem:v57+s9+$0x0], $0xffff;
	_ =	sdelay $0x6  }
0x81: {  	v27 =	vld.idx.msk [tilespmem:v27+s4+$0x0], $0xffff  }
0x82: {  	v28 =	vld.idx.msk [tilespmem:v58+s4+$0x0], $0xffff;
	_ =	sdelay $0x3  }
0x83: {  	v59 =	vadd.s32 s14, v22  }
0x84: {  	v60 =	vadd.s32 s15, v24;
	v27 =	vsub.f32 v27, v28  }
0x85: {  	v61 =	vadd.s32 s15, v25  }
0x86: {  	v27 =	vmul.f32 v27, v27;
	_ =	sdelay $0x1  }
0x87: {  	[tilespmem:v59+s10+$0x0] =	vst.idx.msk $0xffff, v27  }
0x88: {  	v27 =	vld.idx.msk [tilespmem:v60+s9+$0x0], $0xffff  }
0x89: {  	v62 =	vld.idx.msk [tilespmem:v61+s9+$0x0], $0xffff;
	_ =	sdelay $0x6  }
0x8a: {  	v27 =	vld.idx.msk [tilespmem:v27+s4+$0x0], $0xffff  }
0x8b: {  	v28 =	vld.idx.msk [tilespmem:v62+s4+$0x0], $0xffff;
	_ =	sdelay $0x3  }
0x8c: {  	p0 =	sne.s32 s15, $0x578;
	v63 =	vadd.s32 s14, v26  }
.Ltmp0:
0x8d: {  	v27 =	vsub.f32 v27, v28;
	(pc) =	sbr.rel @p0 .LBB2_3-.Ltmp0, $3  }
0x8e: {  	_ = 	snop  }
0x8f: {  	v27 =	vmul.f32 v27, v27;
	_ =	sdelay $0x1  }
0x90: {  	s15 =	sadd.s32 $0xC8, s15;
	s14 =	sadd.s32 $0xC7, s14;
	[tilespmem:v63+s10+$0x0] =	vst.idx.msk $0x7f, v27  }
0x91: {  	s13 =	smul.u32 $0xC7, s13;
	s12 =	sadd.s32 $0x1, s12  }
0x92: {  	p0 =	sne.s32 s12, $0x40  }
.Ltmp1:
0x93: {  	s13 =	sadd.s32 s3, s13;
	(pc) =	sbr.rel @p0 .LBB2_2-.Ltmp1, $4  }
0x94: {  	[hbm4b:s13+s4] =	stream.linear.scatter [tilespmem:s10], [sflag:$0x1], $0x638, $0x38;
	[tilespmem:$0x19400] =	vst v63  }
0x95: {  	_ =	swait.ge [sflag:s8], $0x638  }
0x96: {  	[sflag:s8] =	ssyncset.done $0x0  }
0x97: {  	[sflag:s8] =	ssyncadd.s32 $0xFFFFF9C8  }
0x98: {  	s11 =	sadd.s32 $0x1, s11  }
0x99: {  	p0 =	sne.s32 s11, s7  }
.Ltmp2:
0x9a: {  	_ = 	snop;
	(pc) =	sbr.rel @p0 .LBB2_1-.Ltmp2, $1  }
0x9b: {  	_ =	sdelay $0x3  }
0x9c: {  	_ =	sfence.sel $0x180000  }
0x9d: {  	[bflag:$0x0] =	sbarrier.arrive $0xFFFF  }
0x9e: {  	p0 =	sne.s32 s5, $0x0;
	_ =	strace $0x90000047  }
0x9f: {  	s0 =	sadd.s32 @!p0 $0x100000, s2;
	[bflag:$0x2] =	sbarrier.arrive $0xFFFF  }
0xa0: {  	[sflag:s0] =	ssyncadd.tile.s32 @!p0 $0x1;
	_ =	shalt  }
.Lfunc_end2:
_tile_overlayer_lowered:
.L_overlay_start_2:
0xa1: {  	(tag) =	ssettag $0x2  }
0xa2: {  	s0 =	rddreg [dreg:$0x0];
	s2 =	stileid.u32  }
0xa3: {  	s1 =	rddreg [dreg:$0x1];
	p0 =	sne.s32 s2, $0x0  }
0xa4: {  	s3 =	rddreg [dreg:$0x2];
	[bflag:$0x3] =	sbarrier.arrive $0xFFFF;
	s2 =	simm.s32 @!p0 $0x1C01  }
0xa5: {  	[timem:s3], [sflag:s2] =	dma.local @!p0 [hbm:s0], s1  }
0xa6: {  	s0 =	simm.s32 @!p0 $0x1  }
0xa7: {  	_ =	swait.ge @!p0 [sflag:s0], s1  }
0xa8: {  	s1 =	ssub.s32 @!p0 $0x0, s1;
	[sflag:s0] =	ssyncset.done @!p0 $0x0  }
0xa9: {  	[sflag:s0] =	ssyncadd.s32 @!p0 s1  }
0xaa: {  	[bflag:$0x3] =	sbarrier.arrive $0xFFFF  }
0xab: {  	_ =	shalt  }

</sc_bundles>
